<compile_context>
chip_gen: v7x
topology: tpu7x:2x2x1
jax: 0.10.2.dev20260603
libtpu: 0.0.44.dev20260713+nightly
codegen_flags: <defaults>
</compile_context>

<pallas_src>
import functools

import jax
import jax.numpy as jnp
from jax import lax
from jax.experimental import pallas as pl
from jax.experimental.pallas import tpu as pltpu
from jax.experimental.pallas import tpu_sc as plsc

NC = 2
NS = 16


def _sc_scatter_acc(idx, mask):
    B, ODP = mask.shape
    NW = NC * NS
    rpt = B // NW
    rps = B // NS

    mesh = plsc.VectorSubcoreMesh(core_axis_name="c", subcore_axis_name="s")

    @functools.partial(
        pl.kernel,
        out_type=jax.ShapeDtypeStruct((NC, B, ODP), jnp.float32),
        mesh=mesh,
        scratch_types=[
            pltpu.VMEM((rpt,), jnp.int32),
            pltpu.VMEM((rpt, ODP), jnp.float32),
            pltpu.VMEM((rpt, ODP), jnp.float32),
            pltpu.VMEM_SHARED((B, ODP), jnp.float32),
        ],
    )
    def sc_scatter(idx_hbm, mask_hbm, acc_hbm, idx_v, mask_v, zb, acc_sh):
        c = lax.axis_index("c")
        s = lax.axis_index("s")
        tid = c * NS + s
        zeros16 = jnp.zeros((16,), jnp.float32)

        def zero_row(r, _):
            for k in range(ODP // 16):
                zb[r, pl.ds(k * 16, 16)] = zeros16
            return _
        lax.fori_loop(0, rpt, zero_row, None)
        for h in range(rps // rpt):
            pltpu.sync_copy(zb, acc_sh.at[pl.ds(s * rps + h * rpt, rpt)])
        pltpu.sync_copy(idx_hbm.at[pl.ds(tid * rpt, rpt)], idx_v)
        pltpu.sync_copy(mask_hbm.at[pl.ds(tid * rpt, rpt)], mask_v)
        plsc.subcore_barrier()
        pltpu.sync_copy(mask_v, acc_sh.at[idx_v], add=True)
        plsc.subcore_barrier()
        pltpu.sync_copy(acc_sh.at[pl.ds(s * rps, rps)],
                        acc_hbm.at[c, pl.ds(s * rps, rps)])

    return sc_scatter(idx, mask)


def _tc_reduce_t(Xt, wt, block_lanes):
    OD, IN, B = Xt.shape

    def body(w_ref, x_ref, o_ref):
        x = x_ref[...]
        w = w_ref[...]
        o_ref[...] = jnp.sum(x * w[None, :, :], axis=1)

    return pl.pallas_call(
        body,
        grid=(B // block_lanes,),
        in_specs=[
            pl.BlockSpec((IN, 1), lambda i: (0, 0)),
            pl.BlockSpec((OD, IN, block_lanes), lambda i: (0, 0, i)),
        ],
        out_specs=pl.BlockSpec((OD, block_lanes), lambda i: (0, i)),
        out_shape=jax.ShapeDtypeStruct((OD, B), jnp.float32),
        compiler_params=pltpu.CompilerParams(
            vmem_limit_bytes=100 * 1024 * 1024,
        ),
    )(wt, Xt)


def _tc_combine_t(red_t, acc, block_lanes):
    OD, B = red_t.shape
    odp = acc.shape[-1]

    def body(r_ref, a_ref, o_ref):
        a = a_ref[...]
        at = jnp.transpose(a[0] + a[1])
        o_ref[...] = r_ref[...] + at[:OD, :]

    return pl.pallas_call(
        body,
        grid=(B // block_lanes,),
        in_specs=[
            pl.BlockSpec((OD, block_lanes), lambda i: (0, i)),
            pl.BlockSpec((NC, block_lanes, odp), lambda i: (0, i, 0)),
        ],
        out_specs=pl.BlockSpec((OD, block_lanes), lambda i: (0, i)),
        out_shape=jax.ShapeDtypeStruct((OD, B), jnp.float32),
    )(red_t, acc)


def kernel(X, index, mask, weight):
    B, OD = mask.shape
    IN = X.shape[2]
    odp = 128
    idx32 = index.astype(jnp.int32)
    mask_p = jnp.pad(mask, ((0, 0), (0, odp - OD)))
    acc = _sc_scatter_acc(idx32, mask_p)
    Xt = jnp.transpose(X, (1, 2, 0))
    wt = weight.reshape(IN, 1)
    red_t = _tc_reduce_t(Xt, wt, block_lanes=512)
    out_t = _tc_combine_t(red_t, acc, block_lanes=1024)
    return jnp.transpose(out_t)

# --- scband reference (transcript-rebuilt; emitter-appended) ---
"""Pipeline reference for scband-tied-linear-29162827940702 (READ-ONLY COPY).

The authoritative reference and input builder live on the scoring server;
editing this copy changes nothing except your own understanding.
"""

import jax, jax.numpy as jnp
import numpy as np

B = 4096
OUTPUT_DIM = 100
IN_FEATURES = 64

def setup_inputs(seed: int = 0) -> dict:
    key = jax.random.key(seed)
    k1, k2, k3, k4 = jax.random.split(key, 4)
    X = jax.random.normal(k1, (B, OUTPUT_DIM, IN_FEATURES), dtype=jnp.float32)
    index = jax.random.randint(k2, (B,), 0, B, dtype=jnp.int64)
    mask = jax.random.uniform(k3, (B, OUTPUT_DIM), dtype=jnp.float32)
    # tied weight parameter [1, in_features]; stdv = 1/sqrt(weight.size(0)) = 1.0
    weight = jax.random.uniform(k4, (1, IN_FEATURES), dtype=jnp.float32, minval=-1.0, maxval=1.0)
    return {"X": X, "index": index, "mask": mask, "weight": weight}

def reference(X, index, mask, weight):
    # W = weight expanded to [output_dim, in_features]; broadcast mul over X[B, output_dim, in_features]
    output = X * weight  # weight [1, in_features] broadcasts
    output = output.sum(axis=2)  # [B, output_dim]
    output = output.at[index].add(mask)  # index_add_ along dim 0
    return output

if __name__ == "__main__":
    import jax
    _d = setup_inputs()
    print(jax.jit(kernel)(*tuple(_d.values())))

</pallas_src>

<mosaic_0001>
#map = affine_map<(d0, d1) -> (0)>
#map1 = affine_map<(d0, d1) -> (0, 0)>
#map2 = affine_map<(d0, d1) -> (0, 0, 0)>
module attributes {stable_mosaic.version = 14 : i64} {
  func.func @sc_scatter(%arg0: i32, %arg1: i32, %arg2: memref<4096xi32, #tpu.memory_space<hbm>>, %arg3: memref<4096x128xf32, #tpu.memory_space<hbm>>, %arg4: memref<2x4096x128xf32, #tpu.memory_space<hbm>>, %arg5: memref<128xi32, #tpu.memory_space<vmem>>, %arg6: memref<128x128xf32, #tpu.memory_space<vmem>>, %arg7: memref<128x128xf32, #tpu.memory_space<vmem>>, %arg8: memref<4096x128xf32, #tpu.memory_space<vmem_shared>>) attributes {dimension_semantics = [#tpu.dimension_semantics<core_parallel>, #tpu.dimension_semantics<subcore_parallel>], iteration_bounds = array<i64: 2, 16>, scalar_prefetch = 0 : i64, scratch_operands = 4 : i64, tpu.core_type = #tpu.core_type<sc_vector_subcore>, window_params = [{transform_indices = #map}, {transform_indices = #map1}, {transform_indices = #map2}]} {
    %mul3A = arith.constant 16 : i32
    %mul3A_0 = arith.muli %arg0, %mul3A : i32
    %add3A = arith.addi %mul3A_0, %arg1 : i32
    %broadcast_in_dim3A = arith.constant 0.000000e+00 : f32
    %broadcast_in_dim3A_1 = vector.broadcast %broadcast_in_dim3A : f32 to vector<16xf32>
    %scan3A = arith.constant 0 : i32
    %scan3A_2 = arith.constant 128 : i32
    %scan3A_3 = arith.addi %scan3A, %scan3A_2 : i32
    %scan3A_4 = arith.constant 1 : i32
    scf.for %scan3A_23 = %scan3A to %scan3A_3 step %scan3A_4  : i32 {
      %swap3A = arith.index_cast %scan3A_23 : i32 to index
      %swap3A_24 = arith.constant 0 : index
      %swap3A_25 = tpu.vector_load %arg7[%swap3A, %swap3A_24] {strides = array<i32>} : memref<128x128xf32, #tpu.memory_space<vmem>>, vector<1x16xf32>,
      %swap3A_26 = vector.shape_cast %swap3A_25 : vector<1x16xf32> to vector<16xf32>
      %swap3A_27 = vector.shape_cast %broadcast_in_dim3A_1 : vector<16xf32> to vector<1x16xf32>
      tpu.vector_store %arg7[%swap3A, %swap3A_24], %swap3A_27 {strides = array<i32>} : memref<128x128xf32, #tpu.memory_space<vmem>>, vector<1x16xf32>,
      %swap3A_28 = arith.index_cast %scan3A_23 : i32 to index
      %swap3A_29 = arith.constant 16 : index
      %swap3A_30 = tpu.vector_load %arg7[%swap3A_28, %swap3A_29] {strides = array<i32>} : memref<128x128xf32, #tpu.memory_space<vmem>>, vector<1x16xf32>,
      %swap3A_31 = vector.shape_cast %swap3A_30 : vector<1x16xf32> to vector<16xf32>
      %swap3A_32 = vector.shape_cast %broadcast_in_dim3A_1 : vector<16xf32> to vector<1x16xf32>
      tpu.vector_store %arg7[%swap3A_28, %swap3A_29], %swap3A_32 {strides = array<i32>} : memref<128x128xf32, #tpu.memory_space<vmem>>, vector<1x16xf32>,
      %swap3A_33 = arith.index_cast %scan3A_23 : i32 to index
      %swap3A_34 = arith.constant 32 : index
      %swap3A_35 = tpu.vector_load %arg7[%swap3A_33, %swap3A_34] {strides = array<i32>} : memref<128x128xf32, #tpu.memory_space<vmem>>, vector<1x16xf32>,
      %swap3A_36 = vector.shape_cast %swap3A_35 : vector<1x16xf32> to vector<16xf32>
      %swap3A_37 = vector.shape_cast %broadcast_in_dim3A_1 : vector<16xf32> to vector<1x16xf32>
      tpu.vector_store %arg7[%swap3A_33, %swap3A_34], %swap3A_37 {strides = array<i32>} : memref<128x128xf32, #tpu.memory_space<vmem>>, vector<1x16xf32>,
      %swap3A_38 = arith.index_cast %scan3A_23 : i32 to index
      %swap3A_39 = arith.constant 48 : index
      %swap3A_40 = tpu.vector_load %arg7[%swap3A_38, %swap3A_39] {strides = array<i32>} : memref<128x128xf32, #tpu.memory_space<vmem>>, vector<1x16xf32>,
      %swap3A_41 = vector.shape_cast %swap3A_40 : vector<1x16xf32> to vector<16xf32>
      %swap3A_42 = vector.shape_cast %broadcast_in_dim3A_1 : vector<16xf32> to vector<1x16xf32>
      tpu.vector_store %arg7[%swap3A_38, %swap3A_39], %swap3A_42 {strides = array<i32>} : memref<128x128xf32, #tpu.memory_space<vmem>>, vector<1x16xf32>,
      %swap3A_43 = arith.index_cast %scan3A_23 : i32 to index
      %swap3A_44 = arith.constant 64 : index
      %swap3A_45 = tpu.vector_load %arg7[%swap3A_43, %swap3A_44] {strides = array<i32>} : memref<128x128xf32, #tpu.memory_space<vmem>>, vector<1x16xf32>,
      %swap3A_46 = vector.shape_cast %swap3A_45 : vector<1x16xf32> to vector<16xf32>
      %swap3A_47 = vector.shape_cast %broadcast_in_dim3A_1 : vector<16xf32> to vector<1x16xf32>
      tpu.vector_store %arg7[%swap3A_43, %swap3A_44], %swap3A_47 {strides = array<i32>} : memref<128x128xf32, #tpu.memory_space<vmem>>, vector<1x16xf32>,
      %swap3A_48 = arith.index_cast %scan3A_23 : i32 to index
      %swap3A_49 = arith.constant 80 : index
      %swap3A_50 = tpu.vector_load %arg7[%swap3A_48, %swap3A_49] {strides = array<i32>} : memref<128x128xf32, #tpu.memory_space<vmem>>, vector<1x16xf32>,
      %swap3A_51 = vector.shape_cast %swap3A_50 : vector<1x16xf32> to vector<16xf32>
      %swap3A_52 = vector.shape_cast %broadcast_in_dim3A_1 : vector<16xf32> to vector<1x16xf32>
      tpu.vector_store %arg7[%swap3A_48, %swap3A_49], %swap3A_52 {strides = array<i32>} : memref<128x128xf32, #tpu.memory_space<vmem>>, vector<1x16xf32>,
      %swap3A_53 = arith.index_cast %scan3A_23 : i32 to index
      %swap3A_54 = arith.constant 96 : index
      %swap3A_55 = tpu.vector_load %arg7[%swap3A_53, %swap3A_54] {strides = array<i32>} : memref<128x128xf32, #tpu.memory_space<vmem>>, vector<1x16xf32>,
      %swap3A_56 = vector.shape_cast %swap3A_55 : vector<1x16xf32> to vector<16xf32>
      %swap3A_57 = vector.shape_cast %broadcast_in_dim3A_1 : vector<16xf32> to vector<1x16xf32>
      tpu.vector_store %arg7[%swap3A_53, %swap3A_54], %swap3A_57 {strides = array<i32>} : memref<128x128xf32, #tpu.memory_space<vmem>>, vector<1x16xf32>,
      %swap3A_58 = arith.index_cast %scan3A_23 : i32 to index
      %swap3A_59 = arith.constant 112 : index
      %swap3A_60 = tpu.vector_load %arg7[%swap3A_58, %swap3A_59] {strides = array<i32>} : memref<128x128xf32, #tpu.memory_space<vmem>>, vector<1x16xf32>,
      %swap3A_61 = vector.shape_cast %swap3A_60 : vector<1x16xf32> to vector<16xf32>
      %swap3A_62 = vector.shape_cast %broadcast_in_dim3A_1 : vector<16xf32> to vector<1x16xf32>
      tpu.vector_store %arg7[%swap3A_58, %swap3A_59], %swap3A_62 {strides = array<i32>} : memref<128x128xf32, #tpu.memory_space<vmem>>, vector<1x16xf32>,
    }
    %scan3A_5 = arith.constant 128 : i32
    %mul3A_6 = arith.constant 256 : i32
    %mul3A_7 = arith.muli %arg1, %mul3A_6 : i32
    %add3A_8 = arith.constant 0 : i32
    %add3A_9 = arith.addi %mul3A_7, %add3A_8 : i32
    "tpu.region"() ({
      %run_scoped3A = tpu.sem_alloc : memref<!tpu.dma_semaphore, #tpu.memory_space<semaphore_mem>>
      %dma_start3A = arith.constant 0 : i32
      %dma_start3A_23 = tpu.memref_slice %arg8[%add3A_9, %dma_start3A] : memref<4096x128xf32, #tpu.memory_space<vmem_shared>> -> memref<128x128xf32, #tpu.memory_space<vmem_shared>>
      %dma_start3A_24 = arith.constant 0 : i32
      %dma_start3A_25 = tpu.memref_slice %arg8[%add3A_9, %dma_start3A_24] : memref<4096x128xf32, #tpu.memory_space<vmem_shared>> -> memref<128x128xf32, #tpu.memory_space<vmem_shared>>
      tpu.enqueue_dma source(%arg7 : memref<128x128xf32, #tpu.memory_space<vmem>>) target(%dma_start3A_25 : memref<128x128xf32, #tpu.memory_space<vmem_shared>>) target_semaphore(%run_scoped3A : memref<!tpu.dma_semaphore, #tpu.memory_space<semaphore_mem>>)
      %dma_wait3A = arith.constant 0 : i32
      %dma_wait3A_26 = tpu.memref_slice %arg8[%add3A_9, %dma_wait3A] : memref<4096x128xf32, #tpu.memory_space<vmem_shared>> -> memref<128x128xf32, #tpu.memory_space<vmem_shared>>
      %dma_wait3A_27 = arith.constant 0 : i32
      %dma_wait3A_28 = tpu.memref_slice %arg8[%add3A_9, %dma_wait3A_27] : memref<4096x128xf32, #tpu.memory_space<vmem_shared>> -> memref<128x128xf32, #tpu.memory_space<vmem_shared>>
      tpu.wait_dma2 semaphore(%run_scoped3A : memref<!tpu.dma_semaphore, #tpu.memory_space<semaphore_mem>>) src(%arg7 : memref<128x128xf32, #tpu.memory_space<vmem>>) dst(%dma_wait3A_28 : memref<128x128xf32, #tpu.memory_space<vmem_shared>>)
      tpu.yield
    }) : () -> ()
    %mul3A_10 = arith.constant 256 : i32
    %mul3A_11 = arith.muli %arg1, %mul3A_10 : i32
    %add3A_12 = arith.constant 128 : i32
    %add3A_13 = arith.addi %mul3A_11, %add3A_12 : i32
    "tpu.region"() ({
      %run_scoped3A = tpu.sem_alloc : memref<!tpu.dma_semaphore, #tpu.memory_space<semaphore_mem>>
      %dma_start3A = arith.constant 0 : i32
      %dma_start3A_23 = tpu.memref_slice %arg8[%add3A_13, %dma_start3A] : memref<4096x128xf32, #tpu.memory_space<vmem_shared>> -> memref<128x128xf32, #tpu.memory_space<vmem_shared>>
      %dma_start3A_24 = arith.constant 0 : i32
      %dma_start3A_25 = tpu.memref_slice %arg8[%add3A_13, %dma_start3A_24] : memref<4096x128xf32, #tpu.memory_space<vmem_shared>> -> memref<128x128xf32, #tpu.memory_space<vmem_shared>>
      tpu.enqueue_dma source(%arg7 : memref<128x128xf32, #tpu.memory_space<vmem>>) target(%dma_start3A_25 : memref<128x128xf32, #tpu.memory_space<vmem_shared>>) target_semaphore(%run_scoped3A : memref<!tpu.dma_semaphore, #tpu.memory_space<semaphore_mem>>)
      %dma_wait3A = arith.constant 0 : i32
      %dma_wait3A_26 = tpu.memref_slice %arg8[%add3A_13, %dma_wait3A] : memref<4096x128xf32, #tpu.memory_space<vmem_shared>> -> memref<128x128xf32, #tpu.memory_space<vmem_shared>>
      %dma_wait3A_27 = arith.constant 0 : i32
      %dma_wait3A_28 = tpu.memref_slice %arg8[%add3A_13, %dma_wait3A_27] : memref<4096x128xf32, #tpu.memory_space<vmem_shared>> -> memref<128x128xf32, #tpu.memory_space<vmem_shared>>
      tpu.wait_dma2 semaphore(%run_scoped3A : memref<!tpu.dma_semaphore, #tpu.memory_space<semaphore_mem>>) src(%arg7 : memref<128x128xf32, #tpu.memory_space<vmem>>) dst(%dma_wait3A_28 : memref<128x128xf32, #tpu.memory_space<vmem_shared>>)
      tpu.yield
    }) : () -> ()
    %mul3A_14 = arith.constant 128 : i32
    %mul3A_15 = arith.muli %add3A, %mul3A_14 : i32
    "tpu.region"() ({
      %run_scoped3A = tpu.sem_alloc : memref<!tpu.dma_semaphore, #tpu.memory_space<semaphore_mem>>
      %dma_start3A = tpu.memref_slice %arg2[%mul3A_15] : memref<4096xi32, #tpu.memory_space<hbm>> -> memref<128xi32, #tpu.memory_space<hbm>>
      %dma_start3A_23 = tpu.memref_slice %arg2[%mul3A_15] : memref<4096xi32, #tpu.memory_space<hbm>> -> memref<128xi32, #tpu.memory_space<hbm>>
      tpu.enqueue_dma source(%dma_start3A_23 : memref<128xi32, #tpu.memory_space<hbm>>) target(%arg5 : memref<128xi32, #tpu.memory_space<vmem>>) target_semaphore(%run_scoped3A : memref<!tpu.dma_semaphore, #tpu.memory_space<semaphore_mem>>)
      %dma_wait3A = tpu.memref_slice %arg2[%mul3A_15] : memref<4096xi32, #tpu.memory_space<hbm>> -> memref<128xi32, #tpu.memory_space<hbm>>
      %dma_wait3A_24 = tpu.memref_slice %arg2[%mul3A_15] : memref<4096xi32, #tpu.memory_space<hbm>> -> memref<128xi32, #tpu.memory_space<hbm>>
      tpu.wait_dma2 semaphore(%run_scoped3A : memref<!tpu.dma_semaphore, #tpu.memory_space<semaphore_mem>>) src(%dma_wait3A_24 : memref<128xi32, #tpu.memory_space<hbm>>) dst(%arg5 : memref<128xi32, #tpu.memory_space<vmem>>)
      tpu.yield
    }) : () -> ()
    %mul3A_16 = arith.constant 128 : i32
    %mul3A_17 = arith.muli %add3A, %mul3A_16 : i32
    "tpu.region"() ({
      %run_scoped3A = tpu.sem_alloc : memref<!tpu.dma_semaphore, #tpu.memory_space<semaphore_mem>>
      %dma_start3A = arith.constant 0 : i32
      %dma_start3A_23 = tpu.memref_slice %arg3[%mul3A_17, %dma_start3A] : memref<4096x128xf32, #tpu.memory_space<hbm>> -> memref<128x128xf32, #tpu.memory_space<hbm>>
      %dma_start3A_24 = arith.constant 0 : i32
      %dma_start3A_25 = tpu.memref_slice %arg3[%mul3A_17, %dma_start3A_24] : memref<4096x128xf32, #tpu.memory_space<hbm>> -> memref<128x128xf32, #tpu.memory_space<hbm>>
      tpu.enqueue_dma source(%dma_start3A_25 : memref<128x128xf32, #tpu.memory_space<hbm>>) target(%arg6 : memref<128x128xf32, #tpu.memory_space<vmem>>) target_semaphore(%run_scoped3A : memref<!tpu.dma_semaphore, #tpu.memory_space<semaphore_mem>>)
      %dma_wait3A = arith.constant 0 : i32
      %dma_wait3A_26 = tpu.memref_slice %arg3[%mul3A_17, %dma_wait3A] : memref<4096x128xf32, #tpu.memory_space<hbm>> -> memref<128x128xf32, #tpu.memory_space<hbm>>
      %dma_wait3A_27 = arith.constant 0 : i32
      %dma_wait3A_28 = tpu.memref_slice %arg3[%mul3A_17, %dma_wait3A_27] : memref<4096x128xf32, #tpu.memory_space<hbm>> -> memref<128x128xf32, #tpu.memory_space<hbm>>
      tpu.wait_dma2 semaphore(%run_scoped3A : memref<!tpu.dma_semaphore, #tpu.memory_space<semaphore_mem>>) src(%dma_wait3A_28 : memref<128x128xf32, #tpu.memory_space<hbm>>) dst(%arg6 : memref<128x128xf32, #tpu.memory_space<vmem>>)
      tpu.yield
    }) : () -> ()
    %barrier3A = arith.constant 0 : index
    tpu.barrier barrier_id(%barrier3A)
    "tpu.region"() ({
      %run_scoped3A = tpu.sem_alloc : memref<!tpu.dma_semaphore, #tpu.memory_space<semaphore_mem>>
      %dma_start3A = arith.constant 0 : i32
      %dma_start3A_23 = arith.constant 0 : i32
      %dma_start3A_24 = tpu.memref_slice %arg8[%dma_start3A, %dma_start3A_23] : memref<4096x128xf32, #tpu.memory_space<vmem_shared>> -> memref<4096x128xf32, #tpu.memory_space<vmem_shared>>
      tpu.enqueue_indirect_dma source(%arg6 : memref<128x128xf32, #tpu.memory_space<vmem>>) target(%dma_start3A_24 : memref<4096x128xf32, #tpu.memory_space<vmem_shared>>) offsets(%arg5 : memref<128xi32, #tpu.memory_space<vmem>>) semaphore(%run_scoped3A : memref<!tpu.dma_semaphore, #tpu.memory_space<semaphore_mem>>) {add = true}
      %dma_wait3A = arith.constant 0 : i32
      %dma_wait3A_25 = arith.constant 0 : i32
      %dma_wait3A_26 = tpu.memref_slice %arg8[%dma_wait3A, %dma_wait3A_25] : memref<4096x128xf32, #tpu.memory_space<vmem_shared>> -> memref<4096x128xf32, #tpu.memory_space<vmem_shared>>
      tpu.wait_indirect_dma semaphore(%run_scoped3A : memref<!tpu.dma_semaphore, #tpu.memory_space<semaphore_mem>>) src(%arg6 : memref<128x128xf32, #tpu.memory_space<vmem>>) dst(%dma_wait3A_26 : memref<4096x128xf32, #tpu.memory_space<vmem_shared>>)
      tpu.yield
    }) : () -> ()
    %barrier3A_18 = arith.constant 0 : index
    tpu.barrier barrier_id(%barrier3A_18)
    %mul3A_19 = arith.constant 256 : i32
    %mul3A_20 = arith.muli %arg1, %mul3A_19 : i32
    %mul3A_21 = arith.constant 256 : i32
    %mul3A_22 = arith.muli %arg1, %mul3A_21 : i32
    "tpu.region"() ({
      %run_scoped3A = tpu.sem_alloc : memref<!tpu.dma_semaphore, #tpu.memory_space<semaphore_mem>>
      %dma_start3A = arith.constant 0 : i32
      %dma_start3A_23 = tpu.memref_slice %arg4[%arg0, %mul3A_22, %dma_start3A] : memref<2x4096x128xf32, #tpu.memory_space<hbm>> -> memref<1x256x128xf32, #tpu.memory_space<hbm>>
      %dma_start3A_24 = tpu.memref_squeeze %dma_start3A_23 : memref<1x256x128xf32, #tpu.memory_space<hbm>> -> memref<256x128xf32, #tpu.memory_space<hbm>>
      %dma_start3A_25 = arith.constant 0 : i32
      %dma_start3A_26 = tpu.memref_slice %arg8[%mul3A_20, %dma_start3A_25] : memref<4096x128xf32, #tpu.memory_space<vmem_shared>> -> memref<256x128xf32, #tpu.memory_space<vmem_shared>>
      tpu.enqueue_dma source(%dma_start3A_26 : memref<256x128xf32, #tpu.memory_space<vmem_shared>>) target(%dma_start3A_24 : memref<256x128xf32, #tpu.memory_space<hbm>>) target_semaphore(%run_scoped3A : memref<!tpu.dma_semaphore, #tpu.memory_space<semaphore_mem>>)
      %dma_wait3A = arith.constant 0 : i32
      %dma_wait3A_27 = tpu.memref_slice %arg4[%arg0, %mul3A_22, %dma_wait3A] : memref<2x4096x128xf32, #tpu.memory_space<hbm>> -> memref<1x256x128xf32, #tpu.memory_space<hbm>>
      %dma_wait3A_28 = tpu.memref_squeeze %dma_wait3A_27 : memref<1x256x128xf32, #tpu.memory_space<hbm>> -> memref<256x128xf32, #tpu.memory_space<hbm>>
      %dma_wait3A_29 = arith.constant 0 : i32
      %dma_wait3A_30 = tpu.memref_slice %arg8[%mul3A_20, %dma_wait3A_29] : memref<4096x128xf32, #tpu.memory_space<vmem_shared>> -> memref<256x128xf32, #tpu.memory_space<vmem_shared>>
      tpu.wait_dma2 semaphore(%run_scoped3A : memref<!tpu.dma_semaphore, #tpu.memory_space<semaphore_mem>>) src(%dma_wait3A_30 : memref<256x128xf32, #tpu.memory_space<vmem_shared>>) dst(%dma_wait3A_28 : memref<256x128xf32, #tpu.memory_space<hbm>>)
      tpu.yield
    }) : () -> ()
    return
  }
}

module attributes {stable_mosaic.version = 14 : i64} {
  func.func @body(%arg0: i32, %arg1: memref<64x1xf32, #tpu.memory_space<vmem>>, %arg2: memref<100x64x512xf32, #tpu.memory_space<vmem>>, %arg3: memref<100x512xf32, #tpu.memory_space<vmem>>) attributes {dimension_semantics = [#tpu.dimension_semantics<arbitrary>], iteration_bounds = array<i64: 8>, scalar_prefetch = 0 : i64, scratch_operands = 0 : i64, tpu.core_type = #tpu.core_type<tc>, window_params = [{pipeline_mode = #tpu.pipeline_mode<synchronous>, transform_indices = @transform_0, window_bounds = array<i64: 64, 1>}, {transform_indices = @transform_1, window_bounds = array<i64: 100, 64, 512>}, {transform_indices = @transform_2, window_bounds = array<i64: 100, 512>}]} {
    %get3A = arith.constant 0 : index
    %get3A_0 = arith.constant 0 : index
    %get3A_1 = arith.constant 0 : index
    %get3A_2 = vector.load %arg2[%get3A, %get3A_0, %get3A_1] : memref<100x64x512xf32, #tpu.memory_space<vmem>>, vector<100x64x512xf32>
    %get3A_3 = arith.constant 0 : index
    %get3A_4 = arith.constant 0 : index
    %get3A_5 = vector.load %arg1[%get3A_3, %get3A_4] : memref<64x1xf32, #tpu.memory_space<vmem>>, vector<64x1xf32>
    %broadcast_in_dim3A = vector.shape_cast %get3A_5 : vector<64x1xf32> to vector<1x64x1xf32>
    %mul3A = vector.broadcast %broadcast_in_dim3A : vector<1x64x1xf32> to vector<100x64x512xf32>
    %mul3A_6 = arith.mulf %get3A_2, %mul3A : vector<100x64x512xf32>
    %reduce_sum3A = arith.constant dense<0.000000e+00> : vector<100x512xf32>
    %reduce_sum3A_7 = vector.multi_reduction <add>, %mul3A_6, %reduce_sum3A [1] : vector<100x64x512xf32> to vector<100x512xf32>
    %swap3A = arith.constant 0 : index
    %swap3A_8 = arith.constant 0 : index
    %swap3A_9 = vector.load %arg3[%swap3A, %swap3A_8] : memref<100x512xf32, #tpu.memory_space<vmem>>, vector<100x512xf32>
    tpu.vector_store %arg3[%swap3A, %swap3A_8], %reduce_sum3A_7 {strides = array<i32>} : memref<100x512xf32, #tpu.memory_space<vmem>>, vector<100x512xf32>,
    return
  }
  func.func @transform_0(%arg0: i32) -> (i32, i32) {
    %c0_i32 = arith.constant 0 : i32
    %c0_i32_0 = arith.constant 0 : i32
    %c0_i32_1 = arith.constant 0 : i32
    return %c0_i32, %c0_i32_0 : i32, i32
  }
  func.func @transform_1(%arg0: i32) -> (i32, i32, i32) {
    %c0_i32 = arith.constant 0 : i32
    %c0_i32_0 = arith.constant 0 : i32
    %c0_i32_1 = arith.constant 0 : i32
    return %c0_i32, %c0_i32_0, %arg0 : i32, i32, i32
  }
  func.func @transform_2(%arg0: i32) -> (i32, i32) {
    %c0_i32 = arith.constant 0 : i32
    %c0_i32_0 = arith.constant 0 : i32
    return %c0_i32, %arg0 : i32, i32
  }
}

module attributes {stable_mosaic.version = 14 : i64} {
  func.func @body(%arg0: i32, %arg1: memref<100x1024xf32, #tpu.memory_space<vmem>>, %arg2: memref<2x1024x128xf32, #tpu.memory_space<vmem>>, %arg3: memref<100x1024xf32, #tpu.memory_space<vmem>>) attributes {dimension_semantics = [#tpu.dimension_semantics<arbitrary>], iteration_bounds = array<i64: 4>, scalar_prefetch = 0 : i64, scratch_operands = 0 : i64, tpu.core_type = #tpu.core_type<tc>, window_params = [{transform_indices = @transform_0, window_bounds = array<i64: 100, 1024>}, {transform_indices = @transform_1, window_bounds = array<i64: 2, 1024, 128>}, {transform_indices = @transform_2, window_bounds = array<i64: 100, 1024>}]} {
    %get3A = arith.constant 0 : index
    %get3A_0 = arith.constant 0 : index
    %get3A_1 = arith.constant 0 : index
    %get3A_2 = vector.load %arg2[%get3A, %get3A_0, %get3A_1] : memref<2x1024x128xf32, #tpu.memory_space<vmem>>, vector<2x1024x128xf32>
    %slice3A = vector.extract_strided_slice %get3A_2 {offsets = [0, 0, 0], sizes = [1, 1024, 128], strides = [1, 1, 1]} : vector<2x1024x128xf32> to vector<1x1024x128xf32>
    %squeeze3A = vector.shape_cast %slice3A : vector<1x1024x128xf32> to vector<1024x128xf32>
    %slice3A_3 = vector.extract_strided_slice %get3A_2 {offsets = [1, 0, 0], sizes = [1, 1024, 128], strides = [1, 1, 1]} : vector<2x1024x128xf32> to vector<1x1024x128xf32>
    %squeeze3A_4 = vector.shape_cast %slice3A_3 : vector<1x1024x128xf32> to vector<1024x128xf32>
    %add3A = arith.addf %squeeze3A, %squeeze3A_4 : vector<1024x128xf32>
    %transpose3A = tpu.transpose %add3A, [1, 0] : vector<1024x128xf32> -> vector<128x1024xf32>
    %get3A_5 = arith.constant 0 : index
    %get3A_6 = arith.constant 0 : index
    %get3A_7 = vector.load %arg1[%get3A_5, %get3A_6] : memref<100x1024xf32, #tpu.memory_space<vmem>>, vector<100x1024xf32>
    %slice3A_8 = vector.extract_strided_slice %transpose3A {offsets = [0, 0], sizes = [100, 1024], strides = [1, 1]} : vector<128x1024xf32> to vector<100x1024xf32>
    %add3A_9 = arith.addf %get3A_7, %slice3A_8 : vector<100x1024xf32>
    %swap3A = arith.constant 0 : index
    %swap3A_10 = arith.constant 0 : index
    %swap3A_11 = vector.load %arg3[%swap3A, %swap3A_10] : memref<100x1024xf32, #tpu.memory_space<vmem>>, vector<100x1024xf32>
    tpu.vector_store %arg3[%swap3A, %swap3A_10], %add3A_9 {strides = array<i32>} : memref<100x1024xf32, #tpu.memory_space<vmem>>, vector<100x1024xf32>,
    return
  }
  func.func @transform_0(%arg0: i32) -> (i32, i32) {
    %c0_i32 = arith.constant 0 : i32
    %c0_i32_0 = arith.constant 0 : i32
    return %c0_i32, %arg0 : i32, i32
  }
  func.func @transform_1(%arg0: i32) -> (i32, i32, i32) {
    %c0_i32 = arith.constant 0 : i32
    %c0_i32_0 = arith.constant 0 : i32
    %c0_i32_1 = arith.constant 0 : i32
    return %c0_i32, %arg0, %c0_i32_0 : i32, i32, i32
  }
  func.func @transform_2(%arg0: i32) -> (i32, i32) {
    %c0_i32 = arith.constant 0 : i32
    %c0_i32_0 = arith.constant 0 : i32
    return %c0_i32, %arg0 : i32, i32
  }
}

</mosaic_0001>

<sc_bundles>
// kernel: kernel.5.cloned.1.call-start
scs
__scs_entry_jumppad:
0x0: {  	(pc) =	sbr.rel $0x88, $3  }
0x1: {  	(tag) =	ssettag $0x0;
	lr =	simm.s32 $0x1  }
0x2: {  	[smem:$0x3F9D] =	sst lr;
	_ =	strace $0xD0000000  }
0x3: {  	_ = 	snop  }
0x4: {  	_ = 	snop  }
0x5: {  	_ = 	snop  }
0x6: {  	_ = 	snop  }
0x7: {  	_ = 	snop  }
__scs_overlays_trampoline_lowered:
0x8: {  	[smem:$0x3FAC] =	sst s0  }
0x9: {  	[smem:$0x3FAD] =	sst s1  }
0xa: {  	[smem:$0x3FAE] =	sst s2  }
0xb: {  	[smem:$0x3FAF] =	sst s3  }
0xc: {  	[smem:$0x3FB0] =	sst s4  }
0xd: {  	[smem:$0x3FB1] =	sst s5  }
0xe: {  	[smem:$0x3FB2] =	sst s6  }
0xf: {  	[smem:$0x3FB3] =	sst s7  }
0x10: {  	[smem:$0x3FB4] =	sst s8  }
0x11: {  	[smem:$0x3FB5] =	sst s9;
	s0 =	simm.s32 @!p0 $0x0  }
0x12: {  	s1 =	sld [smem:$0x3F9B];
	s0 =	simm.s32 @p0 $0x1  }
0x13: {  	[smem:$0x3FB6] =	sst s0;
	s0 =	simm.s32 @!p1 $0x0  }
0x14: {  	s2 =	sld [smem:$0x3F9A];
	s0 =	simm.s32 @p1 $0x1  }
0x15: {  	[smem:$0x3FB7] =	sst s0;
	s0 =	simm.s32 @!p2 $0x0  }
0x16: {  	s3 =	sld [smem:$0x3FDB];
	s0 =	simm.s32 @p2 $0x1  }
0x17: {  	s4 =	simm.s32 $0x1BF5;
	[smem:$0x3FB9] =	sst s0  }
0x18: {  	s0 =	sld [smem:$0x3F9C];
	_ =	swait.ge [sflag:s4], $0x0  }
0x19: {  	s7 =	sld [smem:$0x3F9D]  }
0x1a: {  	s8 =	sadd.s32 $0xFFFFE003, lr  }
0x1b: {  	s9 =	sadd.s32 $0xFFFFFEF7, lr;
	s5 =	simm.s32 $0xFFFFFFFF;
	p2 =	slt.u32 s8, $0xFFFFF086  }
0x1c: {  	p1 =	slt.u32 s9, $0xF7A;
	s5 =	simm.s32 @!p2 $0x0  }
0x1d: {  	s5 =	simm.s32 @p1 $0x1;
	p0 =	seq.s32 s7, s2  }
0x1e: {  	s7 =	smul.u32 @!p0 $0xF7A, s2;
	p2 =	seq.s32 @!p0 s5, $0x0  }
0x1f: {  	s9 =	smul.u32 $0xF7A, s1;
	s8 =	simm.s32 @!p0 $0x1BF5;
	p2 =	por !p2, p0  }
0x20: {  	[sflag:s8] =	ssyncset.s32 @!p0 $0xFFFFF086;
	s6 =	sadd.s32 @!p0 s3, s7;
	s7 =	simm.s32 @!p0 $0x108  }
0x21: {  	s3 =	sadd.s32 s3, s9;
	s6 =	sadd.s32 @!p0 $0x88, s6;
	s7 =	simm.s32 @p2 $0x1082  }
0x22: {  	[simem:s7], [sflag:s8] =	dma.local @!p0 [hbm:s6], $0xF7A  }
0x23: {  	s9 =	sor.u32 $0xD0000000, s2;
	s6 =	simm.s32 $0x108;
	_ =	swait.ge @!p0 [sflag:s8], $0x0  }
0x24: {  	s3 =	sadd.s32 $0x88, s3;
	s6 =	simm.s32 @!p1 $0x1082;
	[sflag:s4] =	ssyncset.s32 $0xFFFFF086  }
0x25: {  	[simem:s6], [sflag:s4] =	dma.local [hbm:s3], $0xF7A  }
0x26: {  	[smem:$0x3F9D] =	sst s1;
	(tag) =	ssettag s2;
	_ =	strace s9  }
0x27: {  	s1 =	sld [smem:$0x3FAD]  }
0x28: {  	s2 =	sld [smem:$0x3FAE]  }
0x29: {  	s4 =	sld [smem:$0x3FB0]  }
0x2a: {  	p0 =	seq.s32 s5, $0x0;
	s5 =	sld [smem:$0x3FB1]  }
0x2b: {  	s6 =	sld [smem:$0x3FB2]  }
0x2c: {  	s7 =	sld [smem:$0x3FB3]  }
0x2d: {  	s3 =	simm.s32 $0x108;
	s8 =	sld [smem:$0x3FB4]  }
0x2e: {  	s3 =	simm.s32 @!p0 $0x1082;
	s9 =	sld [smem:$0x3FB5]  }
0x2f: {  	lr =	sadd.s32 s0, s3;
	s0 =	sld [smem:$0x3FAC]  }
0x30: {  	s3 =	sld [smem:$0x3FAF]  }
0x31: {  	[smem:$0x3FB8] =	sst s10  }
0x32: {  	s10 =	sld [smem:$0x3FB6];
	_ =	sdelay $0x3  }
0x33: {  	p0 =	seq.s32 s10, $0x1;
	s10 =	sld [smem:$0x3FB8];
	_ =	sdelay $0x3  }
0x34: {  	[smem:$0x3FB8] =	sst s10  }
0x35: {  	s10 =	sld [smem:$0x3FB7];
	_ =	sdelay $0x3  }
0x36: {  	p1 =	seq.s32 s10, $0x1;
	s10 =	sld [smem:$0x3FB8];
	_ =	sdelay $0x3  }
0x37: {  	[smem:$0x3FB8] =	sst s10  }
0x38: {  	s10 =	sld [smem:$0x3FB9]  }
0x39: {  	_ = 	snop;
	(pc) =	sbr.ind lr, $3  }
0x3a: {  	_ = 	snop  }
0x3b: {  	_ = 	snop  }
0x3c: {  	p2 =	seq.s32 s10, $0x1;
	s10 =	sld [smem:$0x3FB8]  }
0x3d: {  	_ =	shalt  }
0x3e: {  	_ =	shalt  }
0x3f: {  	_ =	shalt  }
0x40: {  	_ =	shalt  }
0x41: {  	_ =	shalt  }
0x42: {  	_ =	shalt  }
0x43: {  	_ =	shalt  }
0x44: {  	_ =	shalt  }
0x45: {  	_ =	shalt  }
0x46: {  	_ =	shalt  }
0x47: {  	_ =	shalt  }
0x48: {  	_ =	shalt  }
0x49: {  	_ =	shalt  }
0x4a: {  	_ =	shalt  }
0x4b: {  	_ =	shalt  }
0x4c: {  	_ =	shalt  }
0x4d: {  	_ =	shalt  }
0x4e: {  	_ =	shalt  }
0x4f: {  	_ =	shalt  }
0x50: {  	_ =	shalt  }
0x51: {  	_ =	shalt  }
0x52: {  	_ =	shalt  }
0x53: {  	_ =	shalt  }
0x54: {  	_ =	shalt  }
0x55: {  	_ =	shalt  }
0x56: {  	_ =	shalt  }
0x57: {  	_ =	shalt  }
0x58: {  	_ =	shalt  }
0x59: {  	_ =	shalt  }
0x5a: {  	_ =	shalt  }
0x5b: {  	_ =	shalt  }
0x5c: {  	_ =	shalt  }
0x5d: {  	_ =	shalt  }
0x5e: {  	_ =	shalt  }
0x5f: {  	_ =	shalt  }
0x60: {  	_ =	shalt  }
0x61: {  	_ =	shalt  }
0x62: {  	_ =	shalt  }
0x63: {  	_ =	shalt  }
0x64: {  	_ =	shalt  }
0x65: {  	_ =	shalt  }
0x66: {  	_ =	shalt  }
0x67: {  	_ =	shalt  }
0x68: {  	_ =	shalt  }
0x69: {  	_ =	shalt  }
0x6a: {  	_ =	shalt  }
0x6b: {  	_ =	shalt  }
0x6c: {  	_ =	shalt  }
0x6d: {  	_ =	shalt  }
0x6e: {  	_ =	shalt  }
0x6f: {  	_ =	shalt  }
0x70: {  	_ =	shalt  }
0x71: {  	_ =	shalt  }
0x72: {  	_ =	shalt  }
0x73: {  	_ =	shalt  }
0x74: {  	_ =	shalt  }
0x75: {  	_ =	shalt  }
0x76: {  	_ =	shalt  }
0x77: {  	_ =	shalt  }
0x78: {  	_ =	shalt  }
0x79: {  	_ =	shalt  }
0x7a: {  	_ =	shalt  }
0x7b: {  	_ =	shalt  }
0x7c: {  	_ =	shalt  }
0x7d: {  	_ =	shalt  }
0x7e: {  	_ =	shalt  }
0x7f: {  	_ =	shalt  }
0x80: {  	_ =	shalt  }
0x81: {  	_ =	shalt  }
0x82: {  	_ =	shalt  }
0x83: {  	_ =	shalt  }
0x84: {  	_ =	shalt  }
0x85: {  	_ =	shalt  }
0x86: {  	_ =	shalt  }
0x87: {  	_ =	shalt  }
.Lfunc_end0:
.L_simem_size_0:
called_computation_lowered:
.L_overlay_start_0:
0x88: {  	s2 =	sld [smem:$0x3FD9]  }
0x89: {  	s3 =	sld [smem:$0x3FFE];
	_ =	sdelay $0x1  }
0x8a: {  	s1 =	srdreg.scid  }
0x8b: {  	s0 =	sand.u32 $0x1, s1  }
0x8c: {  	s17 =	sshll.u32 s0, $0xA;
	s2 =	sadd.s32 s3, s2  }
0x8d: {  	s2 =	sadd.s32 s2, s17  }
0x8e: {  	[smem:$0x3FC4] =	sst s2  }
0x8f: {  	_ = 	snop  }
0x90: {  	s2 =	sld [smem:$0x3FC8];
	(tm) =	ssettm $0x1  }
0x91: {  	s18 =	sld [smem:$0x3FFB];
	_ =	sdelay $0x3  }
0x92: {  	_ =	strace s18  }
0x93: {  	s3 =	sld [smem:$0x3FFC];
	_ =	sdelay $0x3  }
0x94: {  	_ =	strace s3  }
0x95: {  	s3 =	sld [smem:$0x3FFD];
	_ =	sdelay $0x3  }
0x96: {  	_ =	strace s3  }
0x97: {  	_ =	strace $0x8FFFFFFF  }
0x98: {  	s19 =	sld [smem:$0x3FDB];
	_ =	sdelay $0x1  }
0x99: {  	s4 =	simm.s32 $_scs_section_size  }
0x9a: {  	s5 =	simm.s32 $_size__tile_overlayer_lowered;
	s6 =	simm.s32 $_tile_overlayer_lowered  }
0x9b: {  	s22 =	simm.s32 $0x1BFF;
	s21 =	sshll.u32 s6, $0x1;
	s3 =	sadd.s32 s4, s19  }
0x9c: {  	s7 =	simm.s32 $0x0;
	s20 =	sshll.u32 s5, $0x1;
	s5 =	sadd.s32 s21, s3  }
0x9d: {  	[timem:s7], [sflag:s22] =	dma.local [hbm:s5], s20  }
0x9e: {  	_ =	swait.ge [sflag:s22], s20  }
0x9f: {  	s4 =	ssub.s32 $0x0, s20;
	[sflag:s22] =	ssyncset.done $0x0  }
0xa0: {  	[sflag:s22] =	ssyncadd.s32 s4;
	_ =	sdelay $0x1  }
0xa1: {  	s23 =	simm.s32 $0x1B8B  }
0xa2: {  	_ =	swait.ge [sflag:s23], $0x1  }
0xa3: {  	[sflag:s23] =	ssyncset.done $0x0  }
0xa4: {  	s25 =	simm.s32 $0x1B8E;
	s24 =	sld [smem:$0x3FFE];
	[sflag:s23] =	ssyncadd.s32 $0xFFFFFFFF  }
0xa5: {  	s26 =	simm.s32 $execute0_lowered;
	[smem:$0x3FD2] =	sst s25  }
0xa6: {  	s5 =	sshll.u32 s26, $0x1;
	_ =	strace $0x80000046;
	[dreg:$0x1] =	wrdreg $0xFFFFFFFF  }
0xa7: {  	s28 =	simm.s32 $_size_execute0_lowered;
	s3 =	sadd.s32 s3, s5;
	[dreg:$0x0] =	wrdreg $0x0  }
0xa8: {  	s5 =	sshll.u32 s28, $0x1;
	[dreg:$0x2] =	wrdreg s3  }
0xa9: {  	[dreg:$0x3] =	wrdreg s5  }
0xaa: {  	[dreg:$0x4] =	wrdreg $0xC0  }
0xab: {  	_ =	task [dreg:s7], $0x5FFFF  }
0xac: {  	[dreg:$0x1] =	wrdreg $0xFFFFFFFF  }
0xad: {  	[dreg:$0x0] =	wrdreg $0x60  }
0xae: {  	[dreg:$0x2] =	wrdreg s2  }
0xaf: {  	[dreg:$0x3] =	wrdreg s24  }
0xb0: {  	[dreg:$0x4] =	wrdreg $0x80800  }
0xb1: {  	[dreg:$0x5] =	wrdreg $0x9  }
0xb2: {  	_ =	task.clear_ibuf [dreg:s7], $0x6FFFF;
	_ =	strace $0x90000046  }
0xb3: {  	s29 =	simm.s32 $0x9;
	_ =	strace $0x80000048  }
0xb4: {  	_ =	swait.ge [sflag:s29], $0x1  }
0xb5: {  	[sflag:s29] =	ssyncadd.s32 $0xFFFFFFFF  }
0xb6: {  	_ =	strace $0x90000048  }
0xb7: {  	_ =	sfence  }
0xb8: {  	s30 =	sld [smem:$0x0];
	_ =	sdelay $0x2  }
0xb9: {  	s31 =	sshll.u32 s1, $0xD;
	s1 =	sshrl.u32 s1, $0x2  }
0xba: {  	s3 =	sand.u32 $0x4000, s31;
	s1 =	sadd.s32 s1, s30  }
0xbb: {  	s0 =	sor.u32 s3, s0;
	s1 =	sshll.u32 s1, $0x11  }
0xbc: {  	s0 =	sor.u32 s1, s0  }
0xbd: {  	s0 =	sadd.s32 $0x8F2B, s0  }
0xbe: {  	[sflag:s0] =	ssyncadd.remote.s32 $0x1  }
0xbf: {  	_ =	sfence.sel $0xFFFF  }
0xc0: {  	[dreg:$0x0] =	wrdreg $0xFFFFFFFF;
	(pc) =	sbr.abs _section_cstart, $3  }
0xc1: {  	[dreg:$0x1] =	wrdreg $0xFFFFFFFF  }
0xc2: {  	_ =	task.clear_ibuf [dreg:s7], $0x2FFFF;
	_ =	strace $0x9FFFFFFF  }
0xc3: {  	(tm) =	ssettm $0x7FFFFFFF  }
tec
execute0_lowered:
.L_overlay_start_1:
0x0: {  	(tag) =	ssettag $0x1  }
0x1: {  	s6 =	rddreg [dreg:$0x0];
	s1 =	srdreg.scid  }
0x2: {  	s4 =	rddreg [dreg:$0x1];
	s0 =	stileid.u32  }
0x3: {  	s2 =	rddreg [dreg:$0x2];
	s3 =	simm.s32 $0x0;
	s15 =	simm.s32 $0x0  }
0x4: {  	s7 =	sand.u32 $0x1, s1;
	s8 =	sshll.u32 s0, $0x7;
	s1 =	rddreg [dreg:$0x3]  }
0x5: {  	[smem:$0x7FF] =	sst s3;
	s10 =	sshll.u32 s0, $0xC;
	s12 =	sshll.u32 s0, $0xF  }
0x6: {  	s13 =	sshll.u32 s0, $0x6;
	s5 =	sshll.u32 s7, $0xB;
	_ =	strace $0x80000047  }
0x7: {  	s29 =	ssub.s32 $0x2, s7;
	s10 =	sadd.s32 s10, s4;
	s30 =	sshll.u32 s7, $0x10  }
0x8: {  	s13 =	sor.u32 $0x1C01, s13;
	s8 =	sor.u32 s8, s5;
	s11 =	sshrl.u32 s29, $0x1  }
0x9: {  	s31 =	sadd.s32 s30, s10;
	s10 =	simm.s32 $0x4080;
	s5 =	sshll.u32 s8, $0x4  }
0xa: {  	s11 =	ssub.s32 s29, s11;
	s8 =	sshrl.u32 s8, $0x3;
	s9 =	sadd.s32 s5, s4  }
0xb: {  	s4 =	sadd.s32 s12, s2;
	s6 =	sadd.s32 s6, s8;
	s8 =	sadd.s32 $0x10A00, s31  }
0xc: {  	s12 =	simm.s32 $0x80;
	s5 =	sadd.s32 $0x4000, s4;
	s7 =	sadd.s32 $0xA00, s9  }
0xd: {  	v0 =	vimm.f32 $0.0e+00;
	s9 =	smax.u32 s11, $0x1;
	s11 =	simm.s32 $0x1;
	s14 =	sshrl.u32 s4, $0x3  }
.LBB2_1:
0xe: {  	s16 =	simm.s32 $0x0;
	s17 =	simm.s32 $0x200  }
.LBB2_2:
0xf: {  	p0 =	sne.s32 s17, $0xFE00;
	[tilespmem:s16+$0x40F0] =	vst v0  }
0x10: {  	[tilespmem:s16+$0x4080] =	vst v0  }
0x11: {  	[tilespmem:s16+$0x4090] =	vst v0  }
.Ltmp0:
0x12: {  	[tilespmem:s16+$0x40A0] =	vst v0;
	(pc) =	sbr.rel @p0 .LBB2_2-.Ltmp0, $4  }
0x13: {  	[tilespmem:s16+$0x40B0] =	vst v0  }
0x14: {  	[tilespmem:s16+$0x40C0] =	vst v0  }
0x15: {  	[tilespmem:s16+$0x40D0] =	vst v0  }
0x16: {  	[tilespmem:s16+$0x40E0] =	vst v0;
	s16 =	sshra.s32 s17, $0x2;
	s17 =	sadd.s32 $0x200, s17  }
0x17: {  	[tilespmem:s16+$0x40F0] =	vst v0  }
0x18: {  	[tilespmem:s16+$0x4080] =	vst v0  }
0x19: {  	[tilespmem:s16+$0x4090] =	vst v0  }
0x1a: {  	[tilespmem:s16+$0x40A0] =	vst v0  }
0x1b: {  	[tilespmem:s16+$0x40B0] =	vst v0  }
0x1c: {  	[tilespmem:s16+$0x40C0] =	vst v0  }
0x1d: {  	[tilespmem:s16+$0x40D0] =	vst v0  }
0x1e: {  	[tilespmem:s16+$0x40E0] =	vst v0  }
0x1f: {  	[spmem:s4] =	stream.linear.scatter [tilespmem:s10], [sflag:$0x1], $0x4000, $0x38;
	[tilespmem:$0x10080] =	vst v63  }
0x20: {  	_ =	swait.ge [sflag:s11], $0x4000  }
0x21: {  	[sflag:s11] =	ssyncset.done $0x0  }
0x22: {  	[sflag:s11] =	ssyncadd.s32 $0xFFFFC000  }
0x23: {  	[spmem:s5] =	stream.linear.scatter [tilespmem:s10], [sflag:$0x1], $0x4000, $0x38;
	[tilespmem:$0x10080] =	vst v63  }
0x24: {  	_ =	swait.ge [sflag:s11], $0x4000  }
0x25: {  	[sflag:s11] =	ssyncset.done $0x0  }
0x26: {  	[sflag:s11] =	ssyncadd.s32 $0xFFFFC000  }
0x27: {  	[tilespmem:s3], [sflag:$0x1] =	stream.linear.gather [hbm4b:s6+s3], $0x80, $0x38;
	[tilespmem:$0x10080] =	vst v63  }
0x28: {  	_ =	swait.ge [sflag:s11], $0x80  }
0x29: {  	[sflag:s11] =	ssyncset.done $0x0  }
0x2a: {  	[sflag:s11] =	ssyncadd.s32 $0xFFFFFF80  }
0x2b: {  	[tilespmem:s12], [sflag:$0x1] =	stream.linear.gather [hbm4b:s7+s3], $0x4000, $0x38;
	[tilespmem:$0x10080] =	vst v63  }
0x2c: {  	_ =	swait.ge [sflag:s11], $0x4000  }
0x2d: {  	[sflag:s11] =	ssyncset.done $0x0  }
0x2e: {  	[sflag:s11] =	ssyncadd.s32 $0xFFFFC000  }
0x2f: {  	[bflag:$0x0] =	sbarrier.arrive $0xFFFF  }
0x30: {  	[spmem:s2] =	stream.indirect.scatter.add.f32 [tilespmem:s12], [sflag:$0x1], $0x80, s3, s12, $0xb8;
	[tilespmem:$0x10080] =	vst v63  }
0x31: {  	_ =	swait.ge [sflag:s11], $0x4000  }
0x32: {  	s15 =	sadd.s32 $0x1, s15;
	[sflag:s11] =	ssyncset.done $0x0  }
0x33: {  	p0 =	sne.s32 s15, s9;
	[sflag:s11] =	ssyncadd.s32 $0xFFFFC000  }
.Ltmp1:
0x34: {  	[bflag:$0x0] =	sbarrier.arrive $0xFFFF;
	(pc) =	sbr.rel @p0 .LBB2_1-.Ltmp1, $4  }
0x35: {  	[hbm:s8], [sflag:s13] =	dma.local [spmem:s14], $0x1000  }
0x36: {  	_ =	swait.ge [sflag:s11], $0x1000  }
0x37: {  	[sflag:s11] =	ssyncset.done $0x0  }
0x38: {  	[sflag:s11] =	ssyncadd.s32 $0xFFFFF000  }
0x39: {  	_ =	sfence.sel $0x180000  }
0x3a: {  	[bflag:$0x0] =	sbarrier.arrive $0xFFFF  }
0x3b: {  	p0 =	sne.s32 s0, $0x0;
	_ =	strace $0x90000047  }
0x3c: {  	s0 =	sadd.s32 @!p0 $0x100000, s1;
	[bflag:$0x2] =	sbarrier.arrive $0xFFFF  }
0x3d: {  	[sflag:s0] =	ssyncadd.tile.s32 @!p0 $0x1;
	_ =	shalt  }
.Lfunc_end2:
_tile_overlayer_lowered:
.L_overlay_start_2:
0x3e: {  	(tag) =	ssettag $0x2  }
0x3f: {  	s0 =	rddreg [dreg:$0x0];
	s2 =	stileid.u32  }
0x40: {  	s1 =	rddreg [dreg:$0x1];
	p0 =	sne.s32 s2, $0x0  }
0x41: {  	s3 =	rddreg [dreg:$0x2];
	[bflag:$0x3] =	sbarrier.arrive $0xFFFF;
	s2 =	simm.s32 @!p0 $0x1C01  }
0x42: {  	[timem:s3], [sflag:s2] =	dma.local @!p0 [hbm:s0], s1  }
0x43: {  	s0 =	simm.s32 @!p0 $0x1  }
0x44: {  	_ =	swait.ge @!p0 [sflag:s0], s1  }
0x45: {  	s1 =	ssub.s32 @!p0 $0x0, s1;
	[sflag:s0] =	ssyncset.done @!p0 $0x0  }
0x46: {  	[sflag:s0] =	ssyncadd.s32 @!p0 s1  }
0x47: {  	[bflag:$0x3] =	sbarrier.arrive $0xFFFF  }
0x48: {  	_ =	shalt  }

</sc_bundles>
